<compile_context>
chip_gen: v7x
topology: tpu7x:2x2x1
jax: 0.10.2.dev20260603
libtpu: 0.0.44.dev20260713+nightly
codegen_flags: <defaults>
</compile_context>

<pallas_src>
import functools

import jax
import jax.numpy as jnp
from jax import lax
from jax.experimental import pallas as pl
from jax.experimental.pallas import tpu as pltpu
from jax.experimental.pallas import tpu_sc as plsc

NUM_POSITIONS = 8192
EMBED_DIM = 2048
B_TOTAL = 4 * 8192

NUM_CORES = 2
NUM_SUBCORES = 16
NW = NUM_CORES * NUM_SUBCORES
B_PER_W = B_TOTAL // NW
CHUNK = 16
NPAIR = B_PER_W // (2 * CHUNK)

_mesh = plsc.VectorSubcoreMesh(core_axis_name="c", subcore_axis_name="s")


@functools.partial(
    pl.kernel,
    mesh=_mesh,
    out_type=jax.ShapeDtypeStruct((B_TOTAL, EMBED_DIM), jnp.float32),
    scratch_types=[
        pltpu.VMEM((B_PER_W,), jnp.int32),
        pltpu.VMEM((CHUNK, EMBED_DIM), jnp.float32),
        pltpu.VMEM((CHUNK, EMBED_DIM), jnp.float32),
        pltpu.SemaphoreType.DMA,
        pltpu.SemaphoreType.DMA,
        pltpu.SemaphoreType.DMA,
        pltpu.SemaphoreType.DMA,
    ],
)
def _gather_kernel(idx_hbm, table_hbm, out_hbm, idx_v, rows0, rows1,
                   g0, g1, w0, w1):
    wid = lax.axis_index("s") * NUM_CORES + lax.axis_index("c")
    base = wid * B_PER_W
    pltpu.sync_copy(idx_hbm.at[pl.ds(base, B_PER_W)], idx_v)

    def gather_start(j, buf, sem):
        return pltpu.async_copy(
            table_hbm.at[idx_v.at[pl.ds(j * CHUNK, CHUNK)]],
            buf,
            sem,
        )

    def write_start(j, buf, sem):
        return pltpu.async_copy(
            buf,
            out_hbm.at[pl.ds(base + j * CHUNK, CHUNK)],
            sem,
        )

    def write_drain(buf, sem):
        pltpu.make_async_copy(
            buf,
            out_hbm.at[pl.ds(base, CHUNK)],
            sem,
        ).wait()

    gd0 = gather_start(0, rows0, g0)
    gd1 = gather_start(1, rows1, g1)
    gd0.wait()
    write_start(0, rows0, w0)
    gd1.wait()
    write_start(1, rows1, w1)

    def body(i, carry):
        j0 = 2 * i
        write_drain(rows0, w0)
        d0 = gather_start(j0, rows0, g0)
        write_drain(rows1, w1)
        d1 = gather_start(j0 + 1, rows1, g1)
        d0.wait()
        write_start(j0, rows0, w0)
        d1.wait()
        write_start(j0 + 1, rows1, w1)
        return carry

    lax.fori_loop(1, NPAIR, body, 0)
    write_drain(rows0, w0)
    write_drain(rows1, w1)


def kernel(position_ids, embedding_weight):
    flat = position_ids.reshape(-1).astype(jnp.int32)
    out = _gather_kernel(flat, embedding_weight)
    return out.reshape(position_ids.shape + (EMBED_DIM,))

# --- scband reference (transcript-rebuilt; emitter-appended) ---
"""Pipeline reference for scband-positional-embedding-58145267253681 (READ-ONLY COPY).

The authoritative reference and input builder live on the scoring server;
editing this copy changes nothing except your own understanding.
"""

import jax, jax.numpy as jnp
import numpy as np

NUM_POSITIONS = 8192
EMBEDDING_DIM = 2048
BATCH = 4
SEQ_LEN = 8192

def setup_inputs(seed: int = 0) -> dict:
    key = jax.random.key(seed)
    k_ids, k_tab = jax.random.split(key)
    position_ids = jax.random.randint(k_ids, (BATCH, SEQ_LEN), 0, NUM_POSITIONS, dtype=jnp.int64 if jax.config.jax_enable_x64 else jnp.int32)
    # learned positional embedding table, default nn.Embedding init ~ N(0, 1)
    embedding_weight = jax.random.normal(k_tab, (NUM_POSITIONS, EMBEDDING_DIM), dtype=jnp.float32)
    return {"position_ids": position_ids, "embedding_weight": embedding_weight}

def reference(position_ids, embedding_weight):
    # Faithful translation of PositionalEmbedding.forward with explicit position_ids:
    # return self.embedding(position_ids)
    return jnp.take(embedding_weight, position_ids, axis=0)

if __name__ == "__main__":
    import jax
    _d = setup_inputs()
    print(jax.jit(kernel)(*tuple(_d.values())))

</pallas_src>

<mosaic_0001>
#map = affine_map<(d0, d1) -> (0)>
#map1 = affine_map<(d0, d1) -> (0, 0)>
module attributes {stable_mosaic.version = 14 : i64} {
  func.func @_gather_kernel(%arg0: i32, %arg1: i32, %arg2: memref<32768xi32, #tpu.memory_space<hbm>>, %arg3: memref<8192x2048xf32, #tpu.memory_space<hbm>>, %arg4: memref<32768x2048xf32, #tpu.memory_space<hbm>>, %arg5: memref<1024xi32, #tpu.memory_space<vmem>>, %arg6: memref<16x2048xf32, #tpu.memory_space<vmem>>, %arg7: memref<16x2048xf32, #tpu.memory_space<vmem>>, %arg8: memref<!tpu.dma_semaphore, #tpu.memory_space<semaphore_mem>>, %arg9: memref<!tpu.dma_semaphore, #tpu.memory_space<semaphore_mem>>, %arg10: memref<!tpu.dma_semaphore, #tpu.memory_space<semaphore_mem>>, %arg11: memref<!tpu.dma_semaphore, #tpu.memory_space<semaphore_mem>>) attributes {dimension_semantics = [#tpu.dimension_semantics<core_parallel>, #tpu.dimension_semantics<subcore_parallel>], iteration_bounds = array<i64: 2, 16>, scalar_prefetch = 0 : i64, scratch_operands = 7 : i64, tpu.core_type = #tpu.core_type<sc_vector_subcore>, window_params = [{transform_indices = #map}, {transform_indices = #map1}, {transform_indices = #map1}]} {
    %mul3A = arith.constant 2 : i32
    %mul3A_0 = arith.muli %arg1, %mul3A : i32
    %add3A = arith.addi %mul3A_0, %arg0 : i32
    %mul3A_1 = arith.constant 1024 : i32
    %mul3A_2 = arith.muli %add3A, %mul3A_1 : i32
    "tpu.region"() ({
      %run_scoped3A = tpu.sem_alloc : memref<!tpu.dma_semaphore, #tpu.memory_space<semaphore_mem>>
      %dma_start3A_46 = tpu.memref_slice %arg2[%mul3A_2] : memref<32768xi32, #tpu.memory_space<hbm>> -> memref<1024xi32, #tpu.memory_space<hbm>>
      %dma_start3A_47 = tpu.memref_slice %arg2[%mul3A_2] : memref<32768xi32, #tpu.memory_space<hbm>> -> memref<1024xi32, #tpu.memory_space<hbm>>
      tpu.enqueue_dma source(%dma_start3A_47 : memref<1024xi32, #tpu.memory_space<hbm>>) target(%arg5 : memref<1024xi32, #tpu.memory_space<vmem>>) target_semaphore(%run_scoped3A : memref<!tpu.dma_semaphore, #tpu.memory_space<semaphore_mem>>)
      %dma_wait3A_48 = tpu.memref_slice %arg2[%mul3A_2] : memref<32768xi32, #tpu.memory_space<hbm>> -> memref<1024xi32, #tpu.memory_space<hbm>>
      %dma_wait3A_49 = tpu.memref_slice %arg2[%mul3A_2] : memref<32768xi32, #tpu.memory_space<hbm>> -> memref<1024xi32, #tpu.memory_space<hbm>>
      tpu.wait_dma2 semaphore(%run_scoped3A : memref<!tpu.dma_semaphore, #tpu.memory_space<semaphore_mem>>) src(%dma_wait3A_49 : memref<1024xi32, #tpu.memory_space<hbm>>) dst(%arg5 : memref<1024xi32, #tpu.memory_space<vmem>>)
      tpu.yield
    }) : () -> ()
    %dma_start3A = arith.constant 0 : i32
    %dma_start3A_3 = tpu.memref_slice %arg5[%dma_start3A] : memref<1024xi32, #tpu.memory_space<vmem>> -> memref<16xi32, #tpu.memory_space<vmem>>
    %dma_start3A_4 = arith.constant 0 : i32
    %dma_start3A_5 = arith.constant 0 : i32
    %dma_start3A_6 = tpu.memref_slice %arg3[%dma_start3A_4, %dma_start3A_5] : memref<8192x2048xf32, #tpu.memory_space<hbm>> -> memref<8192x2048xf32, #tpu.memory_space<hbm>>
    tpu.enqueue_indirect_dma source(%dma_start3A_6 : memref<8192x2048xf32, #tpu.memory_space<hbm>>) target(%arg6 : memref<16x2048xf32, #tpu.memory_space<vmem>>) offsets(%dma_start3A_3 : memref<16xi32, #tpu.memory_space<vmem>>) semaphore(%arg8 : memref<!tpu.dma_semaphore, #tpu.memory_space<semaphore_mem>>)
    %dma_start3A_7 = arith.constant 16 : i32
    %dma_start3A_8 = tpu.memref_slice %arg5[%dma_start3A_7] : memref<1024xi32, #tpu.memory_space<vmem>> -> memref<16xi32, #tpu.memory_space<vmem>>
    %dma_start3A_9 = arith.constant 0 : i32
    %dma_start3A_10 = arith.constant 0 : i32
    %dma_start3A_11 = tpu.memref_slice %arg3[%dma_start3A_9, %dma_start3A_10] : memref<8192x2048xf32, #tpu.memory_space<hbm>> -> memref<8192x2048xf32, #tpu.memory_space<hbm>>
    tpu.enqueue_indirect_dma source(%dma_start3A_11 : memref<8192x2048xf32, #tpu.memory_space<hbm>>) target(%arg7 : memref<16x2048xf32, #tpu.memory_space<vmem>>) offsets(%dma_start3A_8 : memref<16xi32, #tpu.memory_space<vmem>>) semaphore(%arg9 : memref<!tpu.dma_semaphore, #tpu.memory_space<semaphore_mem>>)
    %dma_wait3A = arith.constant 0 : i32
    %dma_wait3A_12 = tpu.memref_slice %arg5[%dma_wait3A] : memref<1024xi32, #tpu.memory_space<vmem>> -> memref<16xi32, #tpu.memory_space<vmem>>
    %dma_wait3A_13 = arith.constant 0 : i32
    %dma_wait3A_14 = arith.constant 0 : i32
    %dma_wait3A_15 = tpu.memref_slice %arg3[%dma_wait3A_13, %dma_wait3A_14] : memref<8192x2048xf32, #tpu.memory_space<hbm>> -> memref<8192x2048xf32, #tpu.memory_space<hbm>>
    tpu.wait_indirect_dma semaphore(%arg8 : memref<!tpu.dma_semaphore, #tpu.memory_space<semaphore_mem>>) src(%dma_wait3A_15 : memref<8192x2048xf32, #tpu.memory_space<hbm>>) dst(%arg6 : memref<16x2048xf32, #tpu.memory_space<vmem>>)
    %add3A_16 = arith.constant 0 : i32
    %add3A_17 = arith.addi %mul3A_2, %add3A_16 : i32
    %dma_start3A_18 = arith.constant 0 : i32
    %dma_start3A_19 = tpu.memref_slice %arg4[%add3A_17, %dma_start3A_18] : memref<32768x2048xf32, #tpu.memory_space<hbm>> -> memref<16x2048xf32, #tpu.memory_space<hbm>>
    %dma_start3A_20 = arith.constant 0 : i32
    %dma_start3A_21 = tpu.memref_slice %arg4[%add3A_17, %dma_start3A_20] : memref<32768x2048xf32, #tpu.memory_space<hbm>> -> memref<16x2048xf32, #tpu.memory_space<hbm>>
    tpu.enqueue_dma source(%arg6 : memref<16x2048xf32, #tpu.memory_space<vmem>>) target(%dma_start3A_21 : memref<16x2048xf32, #tpu.memory_space<hbm>>) target_semaphore(%arg10 : memref<!tpu.dma_semaphore, #tpu.memory_space<semaphore_mem>>)
    %dma_wait3A_22 = arith.constant 16 : i32
    %dma_wait3A_23 = tpu.memref_slice %arg5[%dma_wait3A_22] : memref<1024xi32, #tpu.memory_space<vmem>> -> memref<16xi32, #tpu.memory_space<vmem>>
    %dma_wait3A_24 = arith.constant 0 : i32
    %dma_wait3A_25 = arith.constant 0 : i32
    %dma_wait3A_26 = tpu.memref_slice %arg3[%dma_wait3A_24, %dma_wait3A_25] : memref<8192x2048xf32, #tpu.memory_space<hbm>> -> memref<8192x2048xf32, #tpu.memory_space<hbm>>
    tpu.wait_indirect_dma semaphore(%arg9 : memref<!tpu.dma_semaphore, #tpu.memory_space<semaphore_mem>>) src(%dma_wait3A_26 : memref<8192x2048xf32, #tpu.memory_space<hbm>>) dst(%arg7 : memref<16x2048xf32, #tpu.memory_space<vmem>>)
    %add3A_27 = arith.constant 16 : i32
    %add3A_28 = arith.addi %mul3A_2, %add3A_27 : i32
    %dma_start3A_29 = arith.constant 0 : i32
    %dma_start3A_30 = tpu.memref_slice %arg4[%add3A_28, %dma_start3A_29] : memref<32768x2048xf32, #tpu.memory_space<hbm>> -> memref<16x2048xf32, #tpu.memory_space<hbm>>
    %dma_start3A_31 = arith.constant 0 : i32
    %dma_start3A_32 = tpu.memref_slice %arg4[%add3A_28, %dma_start3A_31] : memref<32768x2048xf32, #tpu.memory_space<hbm>> -> memref<16x2048xf32, #tpu.memory_space<hbm>>
    tpu.enqueue_dma source(%arg7 : memref<16x2048xf32, #tpu.memory_space<vmem>>) target(%dma_start3A_32 : memref<16x2048xf32, #tpu.memory_space<hbm>>) target_semaphore(%arg11 : memref<!tpu.dma_semaphore, #tpu.memory_space<semaphore_mem>>)
    %scan3A = arith.constant 0 : i32
    %scan3A_33 = arith.constant 1 : i32
    %scan3A_34 = arith.constant 31 : i32
    %scan3A_35 = arith.addi %scan3A_33, %scan3A_34 : i32
    %scan3A_36 = arith.constant 1 : i32
    scf.for %scan3A_46 = %scan3A_33 to %scan3A_35 step %scan3A_36  : i32 {
      %mul3A_47 = arith.constant 2 : i32
      %mul3A_48 = arith.muli %mul3A_47, %scan3A_46 : i32
      %dma_wait3A_49 = arith.constant 0 : i32
      %dma_wait3A_50 = tpu.memref_slice %arg4[%mul3A_2, %dma_wait3A_49] : memref<32768x2048xf32, #tpu.memory_space<hbm>> -> memref<16x2048xf32, #tpu.memory_space<hbm>>
      %dma_wait3A_51 = arith.constant 0 : i32
      %dma_wait3A_52 = tpu.memref_slice %arg4[%mul3A_2, %dma_wait3A_51] : memref<32768x2048xf32, #tpu.memory_space<hbm>> -> memref<16x2048xf32, #tpu.memory_space<hbm>>
      tpu.wait_dma2 semaphore(%arg10 : memref<!tpu.dma_semaphore, #tpu.memory_space<semaphore_mem>>) src(%arg6 : memref<16x2048xf32, #tpu.memory_space<vmem>>) dst(%dma_wait3A_52 : memref<16x2048xf32, #tpu.memory_space<hbm>>)
      %mul3A_53 = arith.constant 16 : i32
      %mul3A_54 = arith.muli %mul3A_48, %mul3A_53 : i32
      %dma_start3A_55 = tpu.memref_slice %arg5[%mul3A_54] : memref<1024xi32, #tpu.memory_space<vmem>> -> memref<16xi32, #tpu.memory_space<vmem>>
      %dma_start3A_56 = arith.constant 0 : i32
      %dma_start3A_57 = arith.constant 0 : i32
      %dma_start3A_58 = tpu.memref_slice %arg3[%dma_start3A_56, %dma_start3A_57] : memref<8192x2048xf32, #tpu.memory_space<hbm>> -> memref<8192x2048xf32, #tpu.memory_space<hbm>>
      tpu.enqueue_indirect_dma source(%dma_start3A_58 : memref<8192x2048xf32, #tpu.memory_space<hbm>>) target(%arg6 : memref<16x2048xf32, #tpu.memory_space<vmem>>) offsets(%dma_start3A_55 : memref<16xi32, #tpu.memory_space<vmem>>) semaphore(%arg8 : memref<!tpu.dma_semaphore, #tpu.memory_space<semaphore_mem>>)
      %dma_wait3A_59 = arith.constant 0 : i32
      %dma_wait3A_60 = tpu.memref_slice %arg4[%mul3A_2, %dma_wait3A_59] : memref<32768x2048xf32, #tpu.memory_space<hbm>> -> memref<16x2048xf32, #tpu.memory_space<hbm>>
      %dma_wait3A_61 = arith.constant 0 : i32
      %dma_wait3A_62 = tpu.memref_slice %arg4[%mul3A_2, %dma_wait3A_61] : memref<32768x2048xf32, #tpu.memory_space<hbm>> -> memref<16x2048xf32, #tpu.memory_space<hbm>>
      tpu.wait_dma2 semaphore(%arg11 : memref<!tpu.dma_semaphore, #tpu.memory_space<semaphore_mem>>) src(%arg7 : memref<16x2048xf32, #tpu.memory_space<vmem>>) dst(%dma_wait3A_62 : memref<16x2048xf32, #tpu.memory_space<hbm>>)
      %add3A_63 = arith.constant 1 : i32
      %add3A_64 = arith.addi %mul3A_48, %add3A_63 : i32
      %mul3A_65 = arith.constant 16 : i32
      %mul3A_66 = arith.muli %add3A_64, %mul3A_65 : i32
      %dma_start3A_67 = tpu.memref_slice %arg5[%mul3A_66] : memref<1024xi32, #tpu.memory_space<vmem>> -> memref<16xi32, #tpu.memory_space<vmem>>
      %dma_start3A_68 = arith.constant 0 : i32
      %dma_start3A_69 = arith.constant 0 : i32
      %dma_start3A_70 = tpu.memref_slice %arg3[%dma_start3A_68, %dma_start3A_69] : memref<8192x2048xf32, #tpu.memory_space<hbm>> -> memref<8192x2048xf32, #tpu.memory_space<hbm>>
      tpu.enqueue_indirect_dma source(%dma_start3A_70 : memref<8192x2048xf32, #tpu.memory_space<hbm>>) target(%arg7 : memref<16x2048xf32, #tpu.memory_space<vmem>>) offsets(%dma_start3A_67 : memref<16xi32, #tpu.memory_space<vmem>>) semaphore(%arg9 : memref<!tpu.dma_semaphore, #tpu.memory_space<semaphore_mem>>)
      %dma_wait3A_71 = tpu.memref_slice %arg5[%mul3A_54] : memref<1024xi32, #tpu.memory_space<vmem>> -> memref<16xi32, #tpu.memory_space<vmem>>
      %dma_wait3A_72 = arith.constant 0 : i32
      %dma_wait3A_73 = arith.constant 0 : i32
      %dma_wait3A_74 = tpu.memref_slice %arg3[%dma_wait3A_72, %dma_wait3A_73] : memref<8192x2048xf32, #tpu.memory_space<hbm>> -> memref<8192x2048xf32, #tpu.memory_space<hbm>>
      tpu.wait_indirect_dma semaphore(%arg8 : memref<!tpu.dma_semaphore, #tpu.memory_space<semaphore_mem>>) src(%dma_wait3A_74 : memref<8192x2048xf32, #tpu.memory_space<hbm>>) dst(%arg6 : memref<16x2048xf32, #tpu.memory_space<vmem>>)
      %mul3A_75 = arith.constant 16 : i32
      %mul3A_76 = arith.muli %mul3A_48, %mul3A_75 : i32
      %add3A_77 = arith.addi %mul3A_2, %mul3A_76 : i32
      %dma_start3A_78 = arith.constant 0 : i32
      %dma_start3A_79 = tpu.memref_slice %arg4[%add3A_77, %dma_start3A_78] : memref<32768x2048xf32, #tpu.memory_space<hbm>> -> memref<16x2048xf32, #tpu.memory_space<hbm>>
      %dma_start3A_80 = arith.constant 0 : i32
      %dma_start3A_81 = tpu.memref_slice %arg4[%add3A_77, %dma_start3A_80] : memref<32768x2048xf32, #tpu.memory_space<hbm>> -> memref<16x2048xf32, #tpu.memory_space<hbm>>
      tpu.enqueue_dma source(%arg6 : memref<16x2048xf32, #tpu.memory_space<vmem>>) target(%dma_start3A_81 : memref<16x2048xf32, #tpu.memory_space<hbm>>) target_semaphore(%arg10 : memref<!tpu.dma_semaphore, #tpu.memory_space<semaphore_mem>>)
      %dma_wait3A_82 = tpu.memref_slice %arg5[%mul3A_66] : memref<1024xi32, #tpu.memory_space<vmem>> -> memref<16xi32, #tpu.memory_space<vmem>>
      %dma_wait3A_83 = arith.constant 0 : i32
      %dma_wait3A_84 = arith.constant 0 : i32
      %dma_wait3A_85 = tpu.memref_slice %arg3[%dma_wait3A_83, %dma_wait3A_84] : memref<8192x2048xf32, #tpu.memory_space<hbm>> -> memref<8192x2048xf32, #tpu.memory_space<hbm>>
      tpu.wait_indirect_dma semaphore(%arg9 : memref<!tpu.dma_semaphore, #tpu.memory_space<semaphore_mem>>) src(%dma_wait3A_85 : memref<8192x2048xf32, #tpu.memory_space<hbm>>) dst(%arg7 : memref<16x2048xf32, #tpu.memory_space<vmem>>)
      %add3A_86 = arith.constant 1 : i32
      %add3A_87 = arith.addi %mul3A_48, %add3A_86 : i32
      %mul3A_88 = arith.constant 16 : i32
      %mul3A_89 = arith.muli %add3A_87, %mul3A_88 : i32
      %add3A_90 = arith.addi %mul3A_2, %mul3A_89 : i32
      %dma_start3A_91 = arith.constant 0 : i32
      %dma_start3A_92 = tpu.memref_slice %arg4[%add3A_90, %dma_start3A_91] : memref<32768x2048xf32, #tpu.memory_space<hbm>> -> memref<16x2048xf32, #tpu.memory_space<hbm>>
      %dma_start3A_93 = arith.constant 0 : i32
      %dma_start3A_94 = tpu.memref_slice %arg4[%add3A_90, %dma_start3A_93] : memref<32768x2048xf32, #tpu.memory_space<hbm>> -> memref<16x2048xf32, #tpu.memory_space<hbm>>
      tpu.enqueue_dma source(%arg7 : memref<16x2048xf32, #tpu.memory_space<vmem>>) target(%dma_start3A_94 : memref<16x2048xf32, #tpu.memory_space<hbm>>) target_semaphore(%arg11 : memref<!tpu.dma_semaphore, #tpu.memory_space<semaphore_mem>>)
    }
    %scan3A_37 = arith.constant 31 : i32
    %dma_wait3A_38 = arith.constant 0 : i32
    %dma_wait3A_39 = tpu.memref_slice %arg4[%mul3A_2, %dma_wait3A_38] : memref<32768x2048xf32, #tpu.memory_space<hbm>> -> memref<16x2048xf32, #tpu.memory_space<hbm>>
    %dma_wait3A_40 = arith.constant 0 : i32
    %dma_wait3A_41 = tpu.memref_slice %arg4[%mul3A_2, %dma_wait3A_40] : memref<32768x2048xf32, #tpu.memory_space<hbm>> -> memref<16x2048xf32, #tpu.memory_space<hbm>>
    tpu.wait_dma2 semaphore(%arg10 : memref<!tpu.dma_semaphore, #tpu.memory_space<semaphore_mem>>) src(%arg6 : memref<16x2048xf32, #tpu.memory_space<vmem>>) dst(%dma_wait3A_41 : memref<16x2048xf32, #tpu.memory_space<hbm>>)
    %dma_wait3A_42 = arith.constant 0 : i32
    %dma_wait3A_43 = tpu.memref_slice %arg4[%mul3A_2, %dma_wait3A_42] : memref<32768x2048xf32, #tpu.memory_space<hbm>> -> memref<16x2048xf32, #tpu.memory_space<hbm>>
    %dma_wait3A_44 = arith.constant 0 : i32
    %dma_wait3A_45 = tpu.memref_slice %arg4[%mul3A_2, %dma_wait3A_44] : memref<32768x2048xf32, #tpu.memory_space<hbm>> -> memref<16x2048xf32, #tpu.memory_space<hbm>>
    tpu.wait_dma2 semaphore(%arg11 : memref<!tpu.dma_semaphore, #tpu.memory_space<semaphore_mem>>) src(%arg7 : memref<16x2048xf32, #tpu.memory_space<vmem>>) dst(%dma_wait3A_45 : memref<16x2048xf32, #tpu.memory_space<hbm>>)
    return
  }
}

</mosaic_0001>

<sc_bundles>
// kernel: kernel.3.cloned.1.call-start
scs
__scs_entry_jumppad:
0x0: {  	(pc) =	sbr.rel $0x88, $3  }
0x1: {  	(tag) =	ssettag $0x0;
	lr =	simm.s32 $0x1  }
0x2: {  	[smem:$0x3F9F] =	sst lr;
	_ =	strace $0xD0000000  }
0x3: {  	_ = 	snop  }
0x4: {  	_ = 	snop  }
0x5: {  	_ = 	snop  }
0x6: {  	_ = 	snop  }
0x7: {  	_ = 	snop  }
__scs_overlays_trampoline_lowered:
0x8: {  	[smem:$0x3FAE] =	sst s0  }
0x9: {  	[smem:$0x3FAF] =	sst s1  }
0xa: {  	[smem:$0x3FB0] =	sst s2  }
0xb: {  	[smem:$0x3FB1] =	sst s3  }
0xc: {  	[smem:$0x3FB2] =	sst s4  }
0xd: {  	[smem:$0x3FB3] =	sst s5  }
0xe: {  	[smem:$0x3FB4] =	sst s6  }
0xf: {  	[smem:$0x3FB5] =	sst s7  }
0x10: {  	[smem:$0x3FB6] =	sst s8  }
0x11: {  	[smem:$0x3FB7] =	sst s9;
	s0 =	simm.s32 @!p0 $0x0  }
0x12: {  	s1 =	sld [smem:$0x3F9D];
	s0 =	simm.s32 @p0 $0x1  }
0x13: {  	[smem:$0x3FB8] =	sst s0;
	s0 =	simm.s32 @!p1 $0x0  }
0x14: {  	s2 =	sld [smem:$0x3F9C];
	s0 =	simm.s32 @p1 $0x1  }
0x15: {  	[smem:$0x3FB9] =	sst s0;
	s0 =	simm.s32 @!p2 $0x0  }
0x16: {  	s3 =	sld [smem:$0x3FDB];
	s0 =	simm.s32 @p2 $0x1  }
0x17: {  	s4 =	simm.s32 $0x1BF5;
	[smem:$0x3FBB] =	sst s0  }
0x18: {  	s0 =	sld [smem:$0x3F9E];
	_ =	swait.ge [sflag:s4], $0x0  }
0x19: {  	s7 =	sld [smem:$0x3F9F]  }
0x1a: {  	s8 =	sadd.s32 $0xFFFFE003, lr  }
0x1b: {  	s9 =	sadd.s32 $0xFFFFFEF7, lr;
	s5 =	simm.s32 $0xFFFFFFFF;
	p2 =	slt.u32 s8, $0xFFFFF086  }
0x1c: {  	p1 =	slt.u32 s9, $0xF7A;
	s5 =	simm.s32 @!p2 $0x0  }
0x1d: {  	s5 =	simm.s32 @p1 $0x1;
	p0 =	seq.s32 s7, s2  }
0x1e: {  	s7 =	smul.u32 @!p0 $0xF7A, s2;
	p2 =	seq.s32 @!p0 s5, $0x0  }
0x1f: {  	s9 =	smul.u32 $0xF7A, s1;
	s8 =	simm.s32 @!p0 $0x1BF5;
	p2 =	por !p2, p0  }
0x20: {  	[sflag:s8] =	ssyncset.s32 @!p0 $0xFFFFF086;
	s6 =	sadd.s32 @!p0 s3, s7;
	s7 =	simm.s32 @!p0 $0x108  }
0x21: {  	s3 =	sadd.s32 s3, s9;
	s6 =	sadd.s32 @!p0 $0x88, s6;
	s7 =	simm.s32 @p2 $0x1082  }
0x22: {  	[simem:s7], [sflag:s8] =	dma.local @!p0 [hbm:s6], $0xF7A  }
0x23: {  	s9 =	sor.u32 $0xD0000000, s2;
	s6 =	simm.s32 $0x108;
	_ =	swait.ge @!p0 [sflag:s8], $0x0  }
0x24: {  	s3 =	sadd.s32 $0x88, s3;
	s6 =	simm.s32 @!p1 $0x1082;
	[sflag:s4] =	ssyncset.s32 $0xFFFFF086  }
0x25: {  	[simem:s6], [sflag:s4] =	dma.local [hbm:s3], $0xF7A  }
0x26: {  	[smem:$0x3F9F] =	sst s1;
	(tag) =	ssettag s2;
	_ =	strace s9  }
0x27: {  	s1 =	sld [smem:$0x3FAF]  }
0x28: {  	s2 =	sld [smem:$0x3FB0]  }
0x29: {  	s4 =	sld [smem:$0x3FB2]  }
0x2a: {  	p0 =	seq.s32 s5, $0x0;
	s5 =	sld [smem:$0x3FB3]  }
0x2b: {  	s6 =	sld [smem:$0x3FB4]  }
0x2c: {  	s7 =	sld [smem:$0x3FB5]  }
0x2d: {  	s3 =	simm.s32 $0x108;
	s8 =	sld [smem:$0x3FB6]  }
0x2e: {  	s3 =	simm.s32 @!p0 $0x1082;
	s9 =	sld [smem:$0x3FB7]  }
0x2f: {  	lr =	sadd.s32 s0, s3;
	s0 =	sld [smem:$0x3FAE]  }
0x30: {  	s3 =	sld [smem:$0x3FB1]  }
0x31: {  	[smem:$0x3FBA] =	sst s10  }
0x32: {  	s10 =	sld [smem:$0x3FB8];
	_ =	sdelay $0x3  }
0x33: {  	p0 =	seq.s32 s10, $0x1;
	s10 =	sld [smem:$0x3FBA];
	_ =	sdelay $0x3  }
0x34: {  	[smem:$0x3FBA] =	sst s10  }
0x35: {  	s10 =	sld [smem:$0x3FB9];
	_ =	sdelay $0x3  }
0x36: {  	p1 =	seq.s32 s10, $0x1;
	s10 =	sld [smem:$0x3FBA];
	_ =	sdelay $0x3  }
0x37: {  	[smem:$0x3FBA] =	sst s10  }
0x38: {  	s10 =	sld [smem:$0x3FBB]  }
0x39: {  	_ = 	snop;
	(pc) =	sbr.ind lr, $3  }
0x3a: {  	_ = 	snop  }
0x3b: {  	_ = 	snop  }
0x3c: {  	p2 =	seq.s32 s10, $0x1;
	s10 =	sld [smem:$0x3FBA]  }
0x3d: {  	_ =	shalt  }
0x3e: {  	_ =	shalt  }
0x3f: {  	_ =	shalt  }
0x40: {  	_ =	shalt  }
0x41: {  	_ =	shalt  }
0x42: {  	_ =	shalt  }
0x43: {  	_ =	shalt  }
0x44: {  	_ =	shalt  }
0x45: {  	_ =	shalt  }
0x46: {  	_ =	shalt  }
0x47: {  	_ =	shalt  }
0x48: {  	_ =	shalt  }
0x49: {  	_ =	shalt  }
0x4a: {  	_ =	shalt  }
0x4b: {  	_ =	shalt  }
0x4c: {  	_ =	shalt  }
0x4d: {  	_ =	shalt  }
0x4e: {  	_ =	shalt  }
0x4f: {  	_ =	shalt  }
0x50: {  	_ =	shalt  }
0x51: {  	_ =	shalt  }
0x52: {  	_ =	shalt  }
0x53: {  	_ =	shalt  }
0x54: {  	_ =	shalt  }
0x55: {  	_ =	shalt  }
0x56: {  	_ =	shalt  }
0x57: {  	_ =	shalt  }
0x58: {  	_ =	shalt  }
0x59: {  	_ =	shalt  }
0x5a: {  	_ =	shalt  }
0x5b: {  	_ =	shalt  }
0x5c: {  	_ =	shalt  }
0x5d: {  	_ =	shalt  }
0x5e: {  	_ =	shalt  }
0x5f: {  	_ =	shalt  }
0x60: {  	_ =	shalt  }
0x61: {  	_ =	shalt  }
0x62: {  	_ =	shalt  }
0x63: {  	_ =	shalt  }
0x64: {  	_ =	shalt  }
0x65: {  	_ =	shalt  }
0x66: {  	_ =	shalt  }
0x67: {  	_ =	shalt  }
0x68: {  	_ =	shalt  }
0x69: {  	_ =	shalt  }
0x6a: {  	_ =	shalt  }
0x6b: {  	_ =	shalt  }
0x6c: {  	_ =	shalt  }
0x6d: {  	_ =	shalt  }
0x6e: {  	_ =	shalt  }
0x6f: {  	_ =	shalt  }
0x70: {  	_ =	shalt  }
0x71: {  	_ =	shalt  }
0x72: {  	_ =	shalt  }
0x73: {  	_ =	shalt  }
0x74: {  	_ =	shalt  }
0x75: {  	_ =	shalt  }
0x76: {  	_ =	shalt  }
0x77: {  	_ =	shalt  }
0x78: {  	_ =	shalt  }
0x79: {  	_ =	shalt  }
0x7a: {  	_ =	shalt  }
0x7b: {  	_ =	shalt  }
0x7c: {  	_ =	shalt  }
0x7d: {  	_ =	shalt  }
0x7e: {  	_ =	shalt  }
0x7f: {  	_ =	shalt  }
0x80: {  	_ =	shalt  }
0x81: {  	_ =	shalt  }
0x82: {  	_ =	shalt  }
0x83: {  	_ =	shalt  }
0x84: {  	_ =	shalt  }
0x85: {  	_ =	shalt  }
0x86: {  	_ =	shalt  }
0x87: {  	_ =	shalt  }
.Lfunc_end0:
.L_simem_size_0:
called_computation_lowered:
.L_overlay_start_0:
0x88: {  	s2 =	sld [smem:$0x3FD9]  }
0x89: {  	s3 =	sld [smem:$0x3FFE];
	_ =	sdelay $0x1  }
0x8a: {  	s1 =	srdreg.scid  }
0x8b: {  	s0 =	sand.u32 $0x1, s1  }
0x8c: {  	s17 =	sshll.u32 s0, $0xA;
	s2 =	sadd.s32 s3, s2  }
0x8d: {  	s2 =	sadd.s32 s2, s17  }
0x8e: {  	[smem:$0x3FC6] =	sst s2  }
0x8f: {  	_ = 	snop  }
0x90: {  	s2 =	sld [smem:$0x3FC8]  }
0x91: {  	s18 =	sld [smem:$0x3FD0];
	(tm) =	ssettm $0x1  }
0x92: {  	s4 =	sld [smem:$0x3FFB];
	_ =	sdelay $0x3  }
0x93: {  	_ =	strace s4  }
0x94: {  	s4 =	sld [smem:$0x3FFC];
	_ =	sdelay $0x3  }
0x95: {  	_ =	strace s4  }
0x96: {  	s4 =	sld [smem:$0x3FFD];
	_ =	sdelay $0x3  }
0x97: {  	_ =	strace s4  }
0x98: {  	_ =	strace $0x8FFFFFFF  }
0x99: {  	s19 =	sld [smem:$0x3FDB];
	_ =	sdelay $0x1  }
0x9a: {  	s5 =	simm.s32 $_scs_section_size  }
0x9b: {  	s6 =	simm.s32 $_size__tile_overlayer_lowered;
	s7 =	simm.s32 $_tile_overlayer_lowered  }
0x9c: {  	s22 =	simm.s32 $0x1BFF;
	s21 =	sshll.u32 s7, $0x1;
	s4 =	sadd.s32 s5, s19  }
0x9d: {  	s8 =	simm.s32 $0x0;
	s20 =	sshll.u32 s6, $0x1;
	s6 =	sadd.s32 s21, s4  }
0x9e: {  	[timem:s8], [sflag:s22] =	dma.local [hbm:s6], s20  }
0x9f: {  	_ =	swait.ge [sflag:s22], s20  }
0xa0: {  	s5 =	ssub.s32 $0x0, s20;
	[sflag:s22] =	ssyncset.done $0x0  }
0xa1: {  	[sflag:s22] =	ssyncadd.s32 s5;
	_ =	sdelay $0x1  }
0xa2: {  	s23 =	simm.s32 $0x1B8B  }
0xa3: {  	_ =	swait.ge [sflag:s23], $0x1  }
0xa4: {  	[sflag:s23] =	ssyncset.done $0x0  }
0xa5: {  	s25 =	simm.s32 $0x1B8E;
	s24 =	sld [smem:$0x3FFE];
	[sflag:s23] =	ssyncadd.s32 $0xFFFFFFFF  }
0xa6: {  	s26 =	simm.s32 $execute0_lowered;
	[smem:$0x3FD2] =	sst s25  }
0xa7: {  	s6 =	sshll.u32 s26, $0x1;
	_ =	strace $0x80000046;
	[dreg:$0x1] =	wrdreg $0xFFFFFFFF  }
0xa8: {  	s28 =	simm.s32 $_size_execute0_lowered;
	s4 =	sadd.s32 s4, s6;
	[dreg:$0x0] =	wrdreg $0x0  }
0xa9: {  	s6 =	sshll.u32 s28, $0x1;
	[dreg:$0x2] =	wrdreg s4  }
0xaa: {  	[dreg:$0x3] =	wrdreg s6  }
0xab: {  	[dreg:$0x4] =	wrdreg $0xC0  }
0xac: {  	_ =	task [dreg:s8], $0x5FFFF  }
0xad: {  	[dreg:$0x1] =	wrdreg $0xFFFFFFFF  }
0xae: {  	[dreg:$0x0] =	wrdreg $0x60  }
0xaf: {  	[dreg:$0x2] =	wrdreg s24  }
0xb0: {  	[dreg:$0x3] =	wrdreg s2  }
0xb1: {  	[dreg:$0x4] =	wrdreg s18  }
0xb2: {  	[dreg:$0x5] =	wrdreg $0x9  }
0xb3: {  	_ =	task.clear_ibuf [dreg:s8], $0x6FFFF;
	_ =	strace $0x90000046  }
0xb4: {  	s29 =	simm.s32 $0x9;
	_ =	strace $0x80000048  }
0xb5: {  	_ =	swait.ge [sflag:s29], $0x1  }
0xb6: {  	[sflag:s29] =	ssyncadd.s32 $0xFFFFFFFF  }
0xb7: {  	_ =	strace $0x90000048  }
0xb8: {  	_ =	sfence  }
0xb9: {  	s30 =	sld [smem:$0x0];
	_ =	sdelay $0x2  }
0xba: {  	s31 =	sshll.u32 s1, $0xD;
	s1 =	sshrl.u32 s1, $0x2  }
0xbb: {  	s3 =	sand.u32 $0x4000, s31;
	s1 =	sadd.s32 s1, s30  }
0xbc: {  	s0 =	sor.u32 s3, s0;
	s1 =	sshll.u32 s1, $0x11  }
0xbd: {  	s0 =	sor.u32 s1, s0  }
0xbe: {  	s0 =	sadd.s32 $0x8F2B, s0  }
0xbf: {  	[sflag:s0] =	ssyncadd.remote.s32 $0x1  }
0xc0: {  	_ =	sfence.sel $0xFFFF  }
0xc1: {  	[dreg:$0x0] =	wrdreg $0xFFFFFFFF;
	(pc) =	sbr.abs _section_cstart, $3  }
0xc2: {  	[dreg:$0x1] =	wrdreg $0xFFFFFFFF  }
0xc3: {  	_ =	task.clear_ibuf [dreg:s8], $0x2FFFF;
	_ =	strace $0x9FFFFFFF  }
0xc4: {  	(tm) =	ssettm $0x7FFFFFFF  }
0xc5: {  	_ =	shalt  }
tec
execute0_lowered:
.L_overlay_start_1:
0x0: {  	(tag) =	ssettag $0x1  }
0x1: {  	s0 =	rddreg [dreg:$0x0]  }
0x2: {  	s1 =	srdreg.scid;
	s2 =	rddreg [dreg:$0x1]  }
0x3: {  	s14 =	stileid.u32;
	s4 =	rddreg [dreg:$0x2]  }
0x4: {  	s15 =	simm.s32 $0x2400;
	s16 =	simm.s32 $0x2C00;
	s18 =	simm.s32 $0x3400  }
0x5: {  	s19 =	simm.s32 $0x3C00;
	s17 =	simm.s32 $0x7400;
	s28 =	simm.s32 $0x7C00  }
0x6: {  	s29 =	simm.s32 $0x1;
	s30 =	simm.s32 $0x2;
	s31 =	simm.s32 $0x3  }
0x7: {  	s1 =	sand.u32 $0x1, s1;
	s3 =	sshll.u32 s14, $0xB;
	s7 =	sadd.s32 $0x300, s2  }
0x8: {  	s8 =	sadd.s32 $0x400, s2;
	s9 =	sadd.s32 $0x500, s2;
	s10 =	sadd.s32 $0x600, s2  }
0x9: {  	s11 =	sadd.s32 $0x700, s2;
	s22 =	sshll.u32 s14, $0x13;
	s14 =	simm.s32 $0x1C00  }
0xa: {  	s5 =	sshll.u32 s1, $0xA;
	s6 =	ssub.s32 $0x2, s1;
	s24 =	sadd.s32 s22, s4  }
0xb: {  	s1 =	sshll.u32 s1, $0x12;
	s22 =	simm.s32 $0x5400;
	s12 =	sor.u32 s5, s3  }
0xc: {  	s3 =	simm.s32 $0x0;
	s20 =	sshrl.u32 s6, $0x1;
	s5 =	sshrl.u32 s12, $0x3  }
0xd: {  	[smem:$0x7FF] =	sst s3;
	s13 =	ssub.s32 s6, s20;
	s6 =	sadd.s32 $0x200, s2  }
0xe: {  	s21 =	sshll.u32 s12, $0x8;
	s12 =	simm.s32 $0xC00;
	s20 =	simm.s32 $0x4400  }
0xf: {  	s0 =	sadd.s32 s5, s0;
	_ =	strace $0x80000047;
	s5 =	sadd.s32 $0x100, s2  }
0x10: {  	s23 =	sadd.s32 s4, s21;
	s26 =	smax.u32 s13, $0x1;
	s13 =	simm.s32 $0x1400  }
0x11: {  	s21 =	simm.s32 $0x4C00;
	s4 =	simm.s32 $0x8400;
	[dreg:$0x5] =	wrdreg s23  }
0x12: {  	s0 =	sadd.s32 $0x400, s0;
	s25 =	sadd.s32 $0x1000, s23;
	[dreg:$0x7] =	wrdreg s26  }
0x13: {  	s26 =	simm.s32 $0x400;
	[dreg:$0x4] =	wrdreg s0;
	s0 =	sadd.s32 s1, s24  }
0x14: {  	v2 =	vlaneseq.u32;
	s23 =	simm.s32 $0x5C00;
	[dreg:$0x6] =	wrdreg s25;
	s0 =	sadd.s32 $0x2000, s0  }
0x15: {  	vm0 =	vmmov $0xffff;
	v1 =	vshrl.u32 v2, $0x3;
	s24 =	simm.s32 $0x6400;
	[dreg:$0x8] =	wrdreg s0;
	s0 =	simm.s32 $0x0  }
0x16: {  	v0 =	vand.u32 $0x7, v2;
	v2 =	vor.u32 $0x8, v2;
	v1 =	vmul.u32 $0x8, v1;
	s25 =	simm.s32 $0x6C00;
	s1 =	simm.s32 $0x4;
	[dreg:$0x9] =	wrdreg s0  }
.LBB2_1:
0x17: {  	s0 =	rddreg [dreg:$0x4]  }
0x18: {  	[tilespmem:s3], [sflag:$0x5] =	stream.linear.gather [hbm4b:s0+s3], $0x400, $0x38;
	[tilespmem:$0x10400] =	vst v63  }
0x19: {  	s0 =	simm.s32 $0x5  }
0x1a: {  	_ =	swait.ge [sflag:s0], $0x400  }
0x1b: {  	[sflag:s0] =	ssyncset.done $0x0  }
0x1c: {  	[sflag:s0] =	ssyncadd.s32 $0xFFFFFC00  }
0x1d: {  	v3 =	vld [tilespmem:$0x0];
	_ =	sdelay $0x4  }
0x1e: {  	v4 =	vshll.u32 v3, $0x4  }
0x1f: {  	v3 =	vand.u32 $0x7, v3;
	v4 =	vand.u32 $0xFFFFFF80, v4  }
0x20: {  	v3 =	vor.u32 v3, v4  }
0x21: {  	v4 =	vperm.xlane v3, v0;
	_ =	sdelay $0x1  }
0x22: {  	v4 =	vadd.s32 v1, v4;
	_ =	sdelay $0x4  }
0x23: {  	[tilespmem:s26], [sflag:$0x1] =	stream.indirect_vreg.gather [hbm4b:s2+s3], $0x80, v4, vm0, $0xb8;
	[tilespmem:$0x10400] =	vst v63  }
0x24: {  	_ = 	snop  }
0x25: {  	[tilespmem:s12], [sflag:$0x1] =	stream.indirect_vreg.gather [hbm4b:s5+s3], $0x80, v4, vm0, $0xb8;
	[tilespmem:$0x10400] =	vst v63  }
0x26: {  	_ = 	snop  }
0x27: {  	[tilespmem:s13], [sflag:$0x1] =	stream.indirect_vreg.gather [hbm4b:s6+s3], $0x80, v4, vm0, $0xb8;
	[tilespmem:$0x10400] =	vst v63  }
0x28: {  	_ = 	snop  }
0x29: {  	[tilespmem:s14], [sflag:$0x1] =	stream.indirect_vreg.gather [hbm4b:s7+s3], $0x80, v4, vm0, $0xb8;
	[tilespmem:$0x10400] =	vst v63  }
0x2a: {  	_ = 	snop  }
0x2b: {  	[tilespmem:s15], [sflag:$0x1] =	stream.indirect_vreg.gather [hbm4b:s8+s3], $0x80, v4, vm0, $0xb8;
	[tilespmem:$0x10400] =	vst v63  }
0x2c: {  	v3 =	vperm.xlane v3, v2  }
0x2d: {  	[tilespmem:s16], [sflag:$0x1] =	stream.indirect_vreg.gather [hbm4b:s9+s3], $0x80, v4, vm0, $0xb8;
	[tilespmem:$0x10400] =	vst v63  }
0x2e: {  	v3 =	vadd.s32 v1, v3  }
0x2f: {  	[tilespmem:s18], [sflag:$0x1] =	stream.indirect_vreg.gather [hbm4b:s10+s3], $0x80, v4, vm0, $0xb8;
	[tilespmem:$0x10400] =	vst v63  }
0x30: {  	_ = 	snop  }
0x31: {  	[tilespmem:s19], [sflag:$0x1] =	stream.indirect_vreg.gather [hbm4b:s11+s3], $0x80, v4, vm0, $0xb8;
	[tilespmem:$0x10400] =	vst v63  }
0x32: {  	_ = 	snop  }
0x33: {  	[tilespmem:s20], [sflag:$0x1] =	stream.indirect_vreg.gather [hbm4b:s2+s3], $0x80, v3, vm0, $0xb8;
	[tilespmem:$0x10400] =	vst v63  }
0x34: {  	_ = 	snop  }
0x35: {  	[tilespmem:s21], [sflag:$0x1] =	stream.indirect_vreg.gather [hbm4b:s5+s3], $0x80, v3, vm0, $0xb8;
	[tilespmem:$0x10400] =	vst v63  }
0x36: {  	_ = 	snop  }
0x37: {  	[tilespmem:s22], [sflag:$0x1] =	stream.indirect_vreg.gather [hbm4b:s6+s3], $0x80, v3, vm0, $0xb8;
	[tilespmem:$0x10400] =	vst v63  }
0x38: {  	_ = 	snop  }
0x39: {  	[tilespmem:s23], [sflag:$0x1] =	stream.indirect_vreg.gather [hbm4b:s7+s3], $0x80, v3, vm0, $0xb8;
	[tilespmem:$0x10400] =	vst v63  }
0x3a: {  	_ = 	snop  }
0x3b: {  	[tilespmem:s24], [sflag:$0x1] =	stream.indirect_vreg.gather [hbm4b:s8+s3], $0x80, v3, vm0, $0xb8;
	[tilespmem:$0x10400] =	vst v63  }
0x3c: {  	_ = 	snop  }
0x3d: {  	[tilespmem:s25], [sflag:$0x1] =	stream.indirect_vreg.gather [hbm4b:s9+s3], $0x80, v3, vm0, $0xb8;
	[tilespmem:$0x10400] =	vst v63  }
0x3e: {  	_ = 	snop  }
0x3f: {  	[tilespmem:s17], [sflag:$0x1] =	stream.indirect_vreg.gather [hbm4b:s10+s3], $0x80, v3, vm0, $0xb8;
	[tilespmem:$0x10400] =	vst v63  }
0x40: {  	_ = 	snop  }
0x41: {  	[tilespmem:s28], [sflag:$0x1] =	stream.indirect_vreg.gather [hbm4b:s11+s3], $0x80, v3, vm0, $0xb8;
	[tilespmem:$0x10400] =	vst v63  }
0x42: {  	v3 =	vld [tilespmem:$0x10];
	_ =	sdelay $0x4  }
0x43: {  	v63 =	vshll.u32 v3, $0x4  }
0x44: {  	v3 =	vand.u32 $0x7, v3;
	v4 =	vand.u32 $0xFFFFFF80, v63  }
0x45: {  	v3 =	vor.u32 v3, v4  }
0x46: {  	v4 =	vperm.xlane v3, v0;
	_ =	sdelay $0x1  }
0x47: {  	v4 =	vadd.s32 v1, v4;
	_ =	sdelay $0x4  }
0x48: {  	[tilespmem:s4], [sflag:$0x2] =	stream.indirect_vreg.gather [hbm4b:s2+s3], $0x80, v4, vm0, $0xb8;
	[tilespmem:$0x10400] =	vst v63  }
0x49: {  	s24 =	simm.s32 $0x8C00  }
0x4a: {  	[tilespmem:s24], [sflag:$0x2] =	stream.indirect_vreg.gather [hbm4b:s5+s3], $0x80, v4, vm0, $0xb8;
	[tilespmem:$0x10400] =	vst v63  }
0x4b: {  	s25 =	simm.s32 $0x9400  }
0x4c: {  	[tilespmem:s25], [sflag:$0x2] =	stream.indirect_vreg.gather [hbm4b:s6+s3], $0x80, v4, vm0, $0xb8;
	[tilespmem:$0x10400] =	vst v63  }
0x4d: {  	s12 =	simm.s32 $0x9C00  }
0x4e: {  	[tilespmem:s12], [sflag:$0x2] =	stream.indirect_vreg.gather [hbm4b:s7+s3], $0x80, v4, vm0, $0xb8;
	[tilespmem:$0x10400] =	vst v63  }
0x4f: {  	s13 =	simm.s32 $0xA400  }
0x50: {  	[tilespmem:s13], [sflag:$0x2] =	stream.indirect_vreg.gather [hbm4b:s8+s3], $0x80, v4, vm0, $0xb8;
	[tilespmem:$0x10400] =	vst v63  }
0x51: {  	s14 =	simm.s32 $0xAC00;
	v3 =	vperm.xlane v3, v2  }
0x52: {  	[tilespmem:s14], [sflag:$0x2] =	stream.indirect_vreg.gather [hbm4b:s9+s3], $0x80, v4, vm0, $0xb8;
	[tilespmem:$0x10400] =	vst v63  }
0x53: {  	s15 =	simm.s32 $0xB400;
	v3 =	vadd.s32 v1, v3  }
0x54: {  	[tilespmem:s15], [sflag:$0x2] =	stream.indirect_vreg.gather [hbm4b:s10+s3], $0x80, v4, vm0, $0xb8;
	[tilespmem:$0x10400] =	vst v63  }
0x55: {  	s16 =	simm.s32 $0xBC00  }
0x56: {  	[tilespmem:s16], [sflag:$0x2] =	stream.indirect_vreg.gather [hbm4b:s11+s3], $0x80, v4, vm0, $0xb8;
	[tilespmem:$0x10400] =	vst v63  }
0x57: {  	s17 =	simm.s32 $0xC400  }
0x58: {  	[tilespmem:s17], [sflag:$0x2] =	stream.indirect_vreg.gather [hbm4b:s2+s3], $0x80, v3, vm0, $0xb8;
	[tilespmem:$0x10400] =	vst v63  }
0x59: {  	s18 =	simm.s32 $0xCC00  }
0x5a: {  	[tilespmem:s18], [sflag:$0x2] =	stream.indirect_vreg.gather [hbm4b:s5+s3], $0x80, v3, vm0, $0xb8;
	[tilespmem:$0x10400] =	vst v63  }
0x5b: {  	s19 =	simm.s32 $0xD400  }
0x5c: {  	[tilespmem:s19], [sflag:$0x2] =	stream.indirect_vreg.gather [hbm4b:s6+s3], $0x80, v3, vm0, $0xb8;
	[tilespmem:$0x10400] =	vst v63  }
0x5d: {  	s20 =	simm.s32 $0xDC00  }
0x5e: {  	[tilespmem:s20], [sflag:$0x2] =	stream.indirect_vreg.gather [hbm4b:s7+s3], $0x80, v3, vm0, $0xb8;
	[tilespmem:$0x10400] =	vst v63  }
0x5f: {  	s21 =	simm.s32 $0xE400  }
0x60: {  	[tilespmem:s21], [sflag:$0x2] =	stream.indirect_vreg.gather [hbm4b:s8+s3], $0x80, v3, vm0, $0xb8;
	[tilespmem:$0x10400] =	vst v63  }
0x61: {  	s22 =	simm.s32 $0xEC00  }
0x62: {  	[tilespmem:s22], [sflag:$0x2] =	stream.indirect_vreg.gather [hbm4b:s9+s3], $0x80, v3, vm0, $0xb8;
	[tilespmem:$0x10400] =	vst v63  }
0x63: {  	s23 =	simm.s32 $0xF400;
	s28 =	simm.s32 $0x6C00  }
0x64: {  	[tilespmem:s23], [sflag:$0x2] =	stream.indirect_vreg.gather [hbm4b:s10+s3], $0x80, v3, vm0, $0xb8;
	[tilespmem:$0x10400] =	vst v63  }
0x65: {  	s24 =	simm.s32 $0xFC00;
	s12 =	simm.s32 $0x8400;
	s13 =	simm.s32 $0x0  }
0x66: {  	[tilespmem:s24], [sflag:$0x2] =	stream.indirect_vreg.gather [hbm4b:s11+s3], $0x80, v3, vm0, $0xb8;
	[tilespmem:$0x10400] =	vst v63  }
0x67: {  	s15 =	simm.s32 $0x7C00;
	s16 =	simm.s32 $0x1C00;
	_ =	swait.ge [sflag:s29], $0x8000  }
0x68: {  	s18 =	simm.s32 $0x2400;
	s19 =	simm.s32 $0x2C00;
	[sflag:s29] =	ssyncset.done $0x0  }
0x69: {  	s20 =	simm.s32 $0x3400;
	s25 =	rddreg [dreg:$0x5];
	[sflag:s29] =	ssyncadd.s32 $0xFFFF8000  }
0x6a: {  	[hbm4b:s25+s3] =	stream.linear.scatter [tilespmem:s26], [sflag:$0x3], $0x8000, $0x38;
	[tilespmem:$0x10400] =	vst v63  }
0x6b: {  	s21 =	simm.s32 $0x3C00;
	s22 =	simm.s32 $0x4400;
	_ =	swait.ge [sflag:s30], $0x8000  }
0x6c: {  	s23 =	simm.s32 $0x4C00;
	s24 =	simm.s32 $0x5400;
	[sflag:s30] =	ssyncset.done $0x0  }
0x6d: {  	s25 =	simm.s32 $0x5C00;
	s26 =	rddreg [dreg:$0x6];
	[sflag:s30] =	ssyncadd.s32 $0xFFFF8000  }
0x6e: {  	[hbm4b:s26+s3] =	stream.linear.scatter [tilespmem:s4], [sflag:$0x4], $0x8000, $0x38;
	[tilespmem:$0x10400] =	vst v63  }
0x6f: {  	s0 =	rddreg [dreg:$0x8];
	s4 =	simm.s32 $0x400;
	s26 =	simm.s32 $0x6400  }
.LBB2_2:
0x70: {  	_ =	swait.ge [sflag:s31], $0x8000  }
0x71: {  	[sflag:s31] =	ssyncset.done $0x0  }
0x72: {  	s14 =	sshra.s32 s13, $0x2;
	[sflag:s31] =	ssyncadd.s32 $0xFFFF8000  }
0x73: {  	v3 =	vld [tilespmem:s14+$0x20];
	_ =	sdelay $0x4  }
0x74: {  	v4 =	vshll.u32 v3, $0x4  }
0x75: {  	v3 =	vand.u32 $0x7, v3;
	v4 =	vand.u32 $0xFFFFFF80, v4  }
0x76: {  	v3 =	vor.u32 v3, v4  }
0x77: {  	v4 =	vperm.xlane v3, v0;
	_ =	sdelay $0x1  }
0x78: {  	v4 =	vadd.s32 v1, v4;
	_ =	sdelay $0x4  }
0x79: {  	[tilespmem:s4], [sflag:$0x1] =	stream.indirect_vreg.gather [hbm4b:s2+s3], $0x80, v4, vm0, $0xb8;
	[tilespmem:$0x10400] =	vst v63  }
0x7a: {  	s17 =	simm.s32 $0xC00  }
0x7b: {  	[tilespmem:s17], [sflag:$0x1] =	stream.indirect_vreg.gather [hbm4b:s5+s3], $0x80, v4, vm0, $0xb8;
	[tilespmem:$0x10400] =	vst v63  }
0x7c: {  	s17 =	simm.s32 $0x1400  }
0x7d: {  	[tilespmem:s17], [sflag:$0x1] =	stream.indirect_vreg.gather [hbm4b:s6+s3], $0x80, v4, vm0, $0xb8;
	[tilespmem:$0x10400] =	vst v63  }
0x7e: {  	_ = 	snop  }
0x7f: {  	[tilespmem:s16], [sflag:$0x1] =	stream.indirect_vreg.gather [hbm4b:s7+s3], $0x80, v4, vm0, $0xb8;
	[tilespmem:$0x10400] =	vst v63  }
0x80: {  	_ = 	snop  }
0x81: {  	[tilespmem:s18], [sflag:$0x1] =	stream.indirect_vreg.gather [hbm4b:s8+s3], $0x80, v4, vm0, $0xb8;
	[tilespmem:$0x10400] =	vst v63  }
0x82: {  	v3 =	vperm.xlane v3, v2  }
0x83: {  	[tilespmem:s19], [sflag:$0x1] =	stream.indirect_vreg.gather [hbm4b:s9+s3], $0x80, v4, vm0, $0xb8;
	[tilespmem:$0x10400] =	vst v63  }
0x84: {  	v3 =	vadd.s32 v1, v3  }
0x85: {  	[tilespmem:s20], [sflag:$0x1] =	stream.indirect_vreg.gather [hbm4b:s10+s3], $0x80, v4, vm0, $0xb8;
	[tilespmem:$0x10400] =	vst v63  }
0x86: {  	_ = 	snop  }
0x87: {  	[tilespmem:s21], [sflag:$0x1] =	stream.indirect_vreg.gather [hbm4b:s11+s3], $0x80, v4, vm0, $0xb8;
	[tilespmem:$0x10400] =	vst v63  }
0x88: {  	_ = 	snop  }
0x89: {  	[tilespmem:s22], [sflag:$0x1] =	stream.indirect_vreg.gather [hbm4b:s2+s3], $0x80, v3, vm0, $0xb8;
	[tilespmem:$0x10400] =	vst v63  }
0x8a: {  	_ = 	snop  }
0x8b: {  	[tilespmem:s23], [sflag:$0x1] =	stream.indirect_vreg.gather [hbm4b:s5+s3], $0x80, v3, vm0, $0xb8;
	[tilespmem:$0x10400] =	vst v63  }
0x8c: {  	_ = 	snop  }
0x8d: {  	[tilespmem:s24], [sflag:$0x1] =	stream.indirect_vreg.gather [hbm4b:s6+s3], $0x80, v3, vm0, $0xb8;
	[tilespmem:$0x10400] =	vst v63  }
0x8e: {  	_ = 	snop  }
0x8f: {  	[tilespmem:s25], [sflag:$0x1] =	stream.indirect_vreg.gather [hbm4b:s7+s3], $0x80, v3, vm0, $0xb8;
	[tilespmem:$0x10400] =	vst v63  }
0x90: {  	_ = 	snop  }
0x91: {  	[tilespmem:s26], [sflag:$0x1] =	stream.indirect_vreg.gather [hbm4b:s8+s3], $0x80, v3, vm0, $0xb8;
	[tilespmem:$0x10400] =	vst v63  }
0x92: {  	_ = 	snop  }
0x93: {  	[tilespmem:s28], [sflag:$0x1] =	stream.indirect_vreg.gather [hbm4b:s9+s3], $0x80, v3, vm0, $0xb8;
	[tilespmem:$0x10400] =	vst v63  }
0x94: {  	s17 =	simm.s32 $0x7400  }
0x95: {  	[tilespmem:s17], [sflag:$0x1] =	stream.indirect_vreg.gather [hbm4b:s10+s3], $0x80, v3, vm0, $0xb8;
	[tilespmem:$0x10400] =	vst v63  }
0x96: {  	_ = 	snop  }
0x97: {  	[tilespmem:s15], [sflag:$0x1] =	stream.indirect_vreg.gather [hbm4b:s11+s3], $0x80, v3, vm0, $0xb8;
	[tilespmem:$0x10400] =	vst v63  }
0x98: {  	_ =	swait.ge [sflag:s1], $0x8000  }
0x99: {  	[sflag:s1] =	ssyncset.done $0x0  }
0x9a: {  	[sflag:s1] =	ssyncadd.s32 $0xFFFF8000  }
0x9b: {  	v3 =	vld [tilespmem:s14+$0x30];
	_ =	sdelay $0x4  }
0x9c: {  	v63 =	vshll.u32 v3, $0x4  }
0x9d: {  	v3 =	vand.u32 $0x7, v3;
	v4 =	vand.u32 $0xFFFFFF80, v63  }
0x9e: {  	v3 =	vor.u32 v3, v4  }
0x9f: {  	v4 =	vperm.xlane v3, v0;
	_ =	sdelay $0x1  }
0xa0: {  	v4 =	vadd.s32 v1, v4;
	_ =	sdelay $0x4  }
0xa1: {  	[tilespmem:s12], [sflag:$0x2] =	stream.indirect_vreg.gather [hbm4b:s2+s3], $0x80, v4, vm0, $0xb8;
	[tilespmem:$0x10400] =	vst v63  }
0xa2: {  	s17 =	simm.s32 $0x8C00  }
0xa3: {  	[tilespmem:s17], [sflag:$0x2] =	stream.indirect_vreg.gather [hbm4b:s5+s3], $0x80, v4, vm0, $0xb8;
	[tilespmem:$0x10400] =	vst v63  }
0xa4: {  	s17 =	simm.s32 $0x9400  }
0xa5: {  	[tilespmem:s17], [sflag:$0x2] =	stream.indirect_vreg.gather [hbm4b:s6+s3], $0x80, v4, vm0, $0xb8;
	[tilespmem:$0x10400] =	vst v63  }
0xa6: {  	s17 =	simm.s32 $0x9C00  }
0xa7: {  	[tilespmem:s17], [sflag:$0x2] =	stream.indirect_vreg.gather [hbm4b:s7+s3], $0x80, v4, vm0, $0xb8;
	[tilespmem:$0x10400] =	vst v63  }
0xa8: {  	s17 =	simm.s32 $0xA400  }
0xa9: {  	[tilespmem:s17], [sflag:$0x2] =	stream.indirect_vreg.gather [hbm4b:s8+s3], $0x80, v4, vm0, $0xb8;
	[tilespmem:$0x10400] =	vst v63  }
0xaa: {  	v3 =	vperm.xlane v3, v2;
	s17 =	simm.s32 $0xAC00  }
0xab: {  	[tilespmem:s17], [sflag:$0x2] =	stream.indirect_vreg.gather [hbm4b:s9+s3], $0x80, v4, vm0, $0xb8;
	[tilespmem:$0x10400] =	vst v63  }
0xac: {  	v3 =	vadd.s32 v1, v3;
	s17 =	simm.s32 $0xB400  }
0xad: {  	[tilespmem:s17], [sflag:$0x2] =	stream.indirect_vreg.gather [hbm4b:s10+s3], $0x80, v4, vm0, $0xb8;
	[tilespmem:$0x10400] =	vst v63  }
0xae: {  	s17 =	simm.s32 $0xBC00  }
0xaf: {  	[tilespmem:s17], [sflag:$0x2] =	stream.indirect_vreg.gather [hbm4b:s11+s3], $0x80, v4, vm0, $0xb8;
	[tilespmem:$0x10400] =	vst v63  }
0xb0: {  	s17 =	simm.s32 $0xC400  }
0xb1: {  	[tilespmem:s17], [sflag:$0x2] =	stream.indirect_vreg.gather [hbm4b:s2+s3], $0x80, v3, vm0, $0xb8;
	[tilespmem:$0x10400] =	vst v63  }
0xb2: {  	s17 =	simm.s32 $0xCC00  }
0xb3: {  	[tilespmem:s17], [sflag:$0x2] =	stream.indirect_vreg.gather [hbm4b:s5+s3], $0x80, v3, vm0, $0xb8;
	[tilespmem:$0x10400] =	vst v63  }
0xb4: {  	s17 =	simm.s32 $0xD400  }
0xb5: {  	[tilespmem:s17], [sflag:$0x2] =	stream.indirect_vreg.gather [hbm4b:s6+s3], $0x80, v3, vm0, $0xb8;
	[tilespmem:$0x10400] =	vst v63  }
0xb6: {  	s17 =	simm.s32 $0xDC00  }
0xb7: {  	[tilespmem:s17], [sflag:$0x2] =	stream.indirect_vreg.gather [hbm4b:s7+s3], $0x80, v3, vm0, $0xb8;
	[tilespmem:$0x10400] =	vst v63  }
0xb8: {  	s17 =	simm.s32 $0xE400  }
0xb9: {  	[tilespmem:s17], [sflag:$0x2] =	stream.indirect_vreg.gather [hbm4b:s8+s3], $0x80, v3, vm0, $0xb8;
	[tilespmem:$0x10400] =	vst v63  }
0xba: {  	s17 =	simm.s32 $0xEC00  }
0xbb: {  	[tilespmem:s17], [sflag:$0x2] =	stream.indirect_vreg.gather [hbm4b:s9+s3], $0x80, v3, vm0, $0xb8;
	[tilespmem:$0x10400] =	vst v63  }
0xbc: {  	s17 =	simm.s32 $0xF400  }
0xbd: {  	[tilespmem:s17], [sflag:$0x2] =	stream.indirect_vreg.gather [hbm4b:s10+s3], $0x80, v3, vm0, $0xb8;
	[tilespmem:$0x10400] =	vst v63  }
0xbe: {  	s17 =	simm.s32 $0xFC00  }
0xbf: {  	[tilespmem:s17], [sflag:$0x2] =	stream.indirect_vreg.gather [hbm4b:s11+s3], $0x80, v3, vm0, $0xb8;
	[tilespmem:$0x10400] =	vst v63  }
0xc0: {  	_ =	swait.ge [sflag:s29], $0x8000  }
0xc1: {  	[sflag:s29] =	ssyncset.done $0x0  }
0xc2: {  	p0 =	sne.s32 s13, $0xF00;
	[sflag:s29] =	ssyncadd.s32 $0xFFFF8000  }
0xc3: {  	[hbm4b:s0+s3] =	stream.linear.scatter [tilespmem:s4], [sflag:$0x3], $0x8000, $0x38;
	[tilespmem:$0x10400] =	vst v63  }
.Ltmp0:
0xc4: {  	_ = 	snop;
	(pc) =	sbr.rel @p0 .LBB2_2-.Ltmp0, $4  }
0xc5: {  	_ =	swait.ge [sflag:s30], $0x8000  }
0xc6: {  	s13 =	sadd.s32 $0x80, s13;
	[sflag:s30] =	ssyncset.done $0x0  }
0xc7: {  	s17 =	sadd.s32 $0x1000, s0;
	s0 =	sadd.s32 $0x2000, s0;
	[sflag:s30] =	ssyncadd.s32 $0xFFFF8000  }
0xc8: {  	[hbm4b:s17+s3] =	stream.linear.scatter [tilespmem:s12], [sflag:$0x4], $0x8000, $0x38;
	[tilespmem:$0x10400] =	vst v63  }
0xc9: {  	_ =	swait.ge [sflag:s31], $0x8000  }
0xca: {  	[sflag:s31] =	ssyncset.done $0x0  }
0xcb: {  	[sflag:s31] =	ssyncadd.s32 $0xFFFF8000  }
0xcc: {  	s12 =	simm.s32 $0xC00;
	_ =	swait.ge [sflag:s1], $0x8000  }
0xcd: {  	s13 =	simm.s32 $0x1400;
	s14 =	simm.s32 $0x1C00;
	s4 =	rddreg [dreg:$0x9]  }
0xce: {  	s15 =	simm.s32 $0x2400;
	s0 =	rddreg [dreg:$0x7];
	s4 =	sadd.s32 $0x1, s4  }
0xcf: {  	s16 =	simm.s32 $0x2C00;
	s18 =	simm.s32 $0x3400;
	p0 =	sne.s32 s4, s0  }
.Ltmp1:
0xd0: {  	s19 =	simm.s32 $0x3C00;
	s20 =	simm.s32 $0x4400;
	(pc) =	sbr.rel @p0 .LBB2_1-.Ltmp1, $4  }
0xd1: {  	s21 =	simm.s32 $0x4C00;
	s22 =	simm.s32 $0x5400;
	s23 =	simm.s32 $0x5C00  }
0xd2: {  	s24 =	simm.s32 $0x6400;
	s25 =	simm.s32 $0x6C00;
	s17 =	simm.s32 $0x7400  }
0xd3: {  	s26 =	simm.s32 $0x400;
	s28 =	simm.s32 $0x7C00;
	[sflag:s1] =	ssyncset.done $0x0  }
0xd4: {  	[sflag:s1] =	ssyncadd.s32 $0xFFFF8000;
	[dreg:$0x9] =	wrdreg s4;
	s4 =	simm.s32 $0x8400  }
0xd5: {  	_ =	sfence.sel $0x180000  }
0xd6: {  	[bflag:$0x0] =	sbarrier.arrive $0xFFFF  }
0xd7: {  	_ =	strace $0x90000047  }
0xd8: {  	s0 =	stileid.u32;
	[bflag:$0x2] =	sbarrier.arrive $0xFFFF  }
0xd9: {  	p0 =	sne.s32 s0, $0x0;
	s0 =	rddreg [dreg:$0x3]  }
0xda: {  	s0 =	sadd.s32 @!p0 $0x100000, s0  }
0xdb: {  	[sflag:s0] =	ssyncadd.tile.s32 @!p0 $0x1;
	_ =	shalt  }
.Lfunc_end2:
_tile_overlayer_lowered:
.L_overlay_start_2:
0xdc: {  	(tag) =	ssettag $0x2  }
0xdd: {  	s0 =	rddreg [dreg:$0x0];
	s2 =	stileid.u32  }
0xde: {  	s1 =	rddreg [dreg:$0x1];
	p0 =	sne.s32 s2, $0x0  }
0xdf: {  	s3 =	rddreg [dreg:$0x2];
	[bflag:$0x3] =	sbarrier.arrive $0xFFFF;
	s2 =	simm.s32 @!p0 $0x1C05  }
0xe0: {  	[timem:s3], [sflag:s2] =	dma.local @!p0 [hbm:s0], s1  }
0xe1: {  	s0 =	simm.s32 @!p0 $0x5  }
0xe2: {  	_ =	swait.ge @!p0 [sflag:s0], s1  }
0xe3: {  	s1 =	ssub.s32 @!p0 $0x0, s1;
	[sflag:s0] =	ssyncset.done @!p0 $0x0  }
0xe4: {  	[sflag:s0] =	ssyncadd.s32 @!p0 s1  }
0xe5: {  	[bflag:$0x3] =	sbarrier.arrive $0xFFFF  }
0xe6: {  	_ =	shalt  }

</sc_bundles>
